<compile_context>
chip_gen: v7x
topology: tpu7x:2x2x1
jax: 0.10.2.dev20260603
libtpu: 0.0.44.dev20260713+nightly
codegen_flags: <defaults>
</compile_context>

<pallas_src>
import functools
import jax
import jax.numpy as jnp
import numpy as np
from jax import lax
from jax.experimental import pallas as pl
from jax.experimental.pallas import tpu as pltpu, tpu_sc as plsc

HID = 512
E = 100000
E_PAD = 102400
NROWS = E_PAD // 128
NC, NS, L = 2, 16, 16

_mesh = plsc.VectorSubcoreMesh(core_axis_name="c", subcore_axis_name="s")
_sc_params = pltpu.CompilerParams(needs_layout_passes=False)


def _dyn_gather(vec, idx16):
    return lax.gather(
        vec, idx16[:, None],
        dimension_numbers=lax.GatherDimensionNumbers(
            offset_dims=(), collapsed_slice_dims=(0,), start_index_map=(0,)),
        slice_sizes=(1,),
        mode=lax.GatherScatterMode.PROMISE_IN_BOUNDS)



MM_BLK = 512


def _mm_slab_body(x_ref, w_ref, watt_ref, h0, h1, h2, h3, att_ref):
    x = x_ref[...]
    h = jnp.dot(x, w_ref[...], preferred_element_type=jnp.float32)
    h0[...] = h[:, 0:128]
    h1[...] = h[:, 128:256]
    h2[...] = h[:, 256:384]
    h3[...] = h[:, 384:512]
    att_ref[...] = jnp.dot(h, watt_ref[...], preferred_element_type=jnp.float32)


def _mm_slab(x, w, watt):
    n, k = x.shape
    hspec = pl.BlockSpec((MM_BLK, 128), lambda i: (i, 0))
    return pl.pallas_call(
        _mm_slab_body,
        grid=(pl.cdiv(n, MM_BLK),),
        in_specs=[
            pl.BlockSpec((MM_BLK, k), lambda i: (i, 0)),
            pl.BlockSpec((k, HID), lambda i: (0, 0)),
            pl.BlockSpec((HID, 2), lambda i: (0, 0)),
        ],
        out_specs=[hspec, hspec, hspec, hspec,
                   pl.BlockSpec((MM_BLK, 2), lambda i: (i, 0))],
        out_shape=[jax.ShapeDtypeStruct((n, 128), jnp.float32)] * 4
        + [jax.ShapeDtypeStruct((n, 2), jnp.float32)],
    )(x, w, watt)


def _mm_att_body(x_ref, w_ref, watt_ref, att_ref):
    x = x_ref[...]
    h = jnp.dot(x, w_ref[...], preferred_element_type=jnp.float32)
    att_ref[...] = jnp.dot(h, watt_ref[...], preferred_element_type=jnp.float32)


def _mm_att_only(x, w, watt):
    n, k = x.shape
    return pl.pallas_call(
        _mm_att_body,
        grid=(pl.cdiv(n, MM_BLK),),
        in_specs=[
            pl.BlockSpec((MM_BLK, k), lambda i: (i, 0)),
            pl.BlockSpec((k, HID), lambda i: (0, 0)),
            pl.BlockSpec((HID, 2), lambda i: (0, 0)),
        ],
        out_specs=pl.BlockSpec((MM_BLK, 2), lambda i: (i, 0)),
        out_shape=jax.ShapeDtypeStruct((n, 2), jnp.float32),
    )(x, w, watt)


def _fc_body(x_ref, w_ref, b_ref, o_ref):
    o_ref[...] = (
        jnp.dot(x_ref[...], w_ref[...], preferred_element_type=jnp.float32)
        + b_ref[...]
    )


def _fc(x, w, b):
    n, k = x.shape
    dout = w.shape[1]
    return pl.pallas_call(
        _fc_body,
        grid=(pl.cdiv(n, MM_BLK),),
        in_specs=[
            pl.BlockSpec((MM_BLK, k), lambda i: (i, 0)),
            pl.BlockSpec((k, dout), lambda i: (0, 0)),
            pl.BlockSpec((1, dout), lambda i: (0, 0)),
        ],
        out_specs=pl.BlockSpec((MM_BLK, dout), lambda i: (i, 0)),
        out_shape=jax.ShapeDtypeStruct((n, dout), jnp.float32),
    )(x, w, b.reshape(1, dout))



def _ep1_body(a0, a1, a2, a3, b_ref, o_ref):
    b = b_ref[...]
    for k, ak in enumerate((a0, a1, a2, a3)):
        o_ref[:, 128 * k:128 * (k + 1)] = jax.nn.relu(
            ak[...] + b[:, 128 * k:128 * (k + 1)])


def _ep1(aggs, b):
    n = aggs[0].shape[0]
    spec = pl.BlockSpec((MM_BLK, 128), lambda i: (i, 0))
    return pl.pallas_call(
        _ep1_body,
        grid=(pl.cdiv(n, MM_BLK),),
        in_specs=[spec] * 4 + [pl.BlockSpec((1, HID), lambda i: (0, 0))],
        out_specs=pl.BlockSpec((MM_BLK, HID), lambda i: (i, 0)),
        out_shape=jax.ShapeDtypeStruct((n, HID), jnp.float32),
    )(*aggs, b.reshape(1, HID))


def _ep3_body(a0, a1, a2, a3, b0, b1, b2, b3, c0, c1, c2, c3, bias_ref, o_ref):
    bias = bias_ref[...]
    abc = ((a0, a1, a2, a3), (b0, b1, b2, b3), (c0, c1, c2, c3))
    for k in range(4):
        s = abc[0][k][...] + abc[1][k][...] + abc[2][k][...]
        o_ref[:, 128 * k:128 * (k + 1)] = jax.nn.relu(
            (s + bias[:, 128 * k:128 * (k + 1)]) * (1.0 / 3.0))


def _ep3(aggs_a, aggs_b, aggs_c, bias_sum):
    n = aggs_a[0].shape[0]
    spec = pl.BlockSpec((MM_BLK, 128), lambda i: (i, 0))
    return pl.pallas_call(
        _ep3_body,
        grid=(pl.cdiv(n, MM_BLK),),
        in_specs=[spec] * 12 + [pl.BlockSpec((1, HID), lambda i: (0, 0))],
        out_specs=pl.BlockSpec((MM_BLK, HID), lambda i: (i, 0)),
        out_shape=jax.ShapeDtypeStruct((n, HID), jnp.float32),
    )(*aggs_a, *aggs_b, *aggs_c, bias_sum.reshape(1, HID))



@functools.partial(jax.jit, static_argnames=("n_src", "n_acc"))
def _e1(asrc, adst, src1, dst2, n_src, n_acc):
    chunk = E_PAD // (NC * NS)
    crows = chunk // 128
    stripe = n_acc // NS

    @functools.partial(
        pl.kernel, mesh=_mesh, compiler_params=_sc_params,
        out_type=(
            jax.ShapeDtypeStruct((NC * NS, crows, 128), jnp.float32),
            jax.ShapeDtypeStruct((2 * n_acc,), jnp.float32),
        ),
        scratch_types=(
            pltpu.VMEM((n_src,), jnp.float32),
            pltpu.VMEM((n_acc,), jnp.float32),
            pltpu.VMEM((chunk,), jnp.int32),
            pltpu.VMEM((crows, 128), jnp.int32),
            pltpu.VMEM((crows, 128), jnp.float32),
            pltpu.VMEM((stripe,), jnp.float32),
            pltpu.VMEM_SHARED((n_acc,), jnp.float32),
            pltpu.SemaphoreType.DMA,
        ),
    )
    def e1k(asrc_h, adst_h, src_h, dst_h, ex_o, den_o,
            as_v, ad_v, src_v, dst_v, ex_v, zs_v, den_sh, sem):
        c = lax.axis_index("c")
        s = lax.axis_index("s")
        w = s * NC + c

        pltpu.sync_copy(asrc_h, as_v)
        pltpu.sync_copy(adst_h, ad_v)
        pltpu.sync_copy(src_h.at[pl.ds(w * chunk, chunk)], src_v)
        pltpu.sync_copy(dst_h.at[w], dst_v)

        def zs(i, carry):
            zs_v[pl.ds(i * L, L)] = jnp.zeros((L,), jnp.float32)
            return carry
        lax.fori_loop(0, stripe // L, zs, 0)
        pltpu.sync_copy(zs_v, den_sh.at[pl.ds(s * stripe, stripe)])
        plsc.subcore_barrier()

        def edge(g, carry):
            r = g // 8
            cs = (g % 8) * L
            src16 = src_v[pl.ds(g * L, L)]
            dst16 = dst_v[r, pl.ds(cs, L)]
            e = plsc.load_gather(as_v, [src16]) + plsc.load_gather(ad_v, [dst16])
            e = jnp.where(e >= 0.0, e, 0.2 * e)
            ex16 = jnp.exp(e)
            gid = w * chunk + g * L + lax.iota(jnp.int32, L)
            ex16 = jnp.where(gid < E, ex16, 0.0)
            ex_v[r, pl.ds(cs, L)] = ex16
            return carry
        lax.fori_loop(0, chunk // L, edge, 0)

        pltpu.sync_copy(ex_v, ex_o.at[w])

        def dadd(j, carry):
            pltpu.sync_copy(ex_v.at[j], den_sh.at[dst_v.at[j]], add=True)
            return carry
        lax.fori_loop(0, crows, dadd, 0)
        plsc.subcore_barrier()

        pltpu.sync_copy(den_sh.at[pl.ds(s * stripe, stripe)], zs_v)
        pltpu.sync_copy(zs_v, den_o.at[pl.ds(c * n_acc + s * stripe, stripe)])

    return e1k(asrc, adst, src1, dst2)


@functools.partial(jax.jit, static_argnames=("n_src", "n_acc"))
def _e2(h_slabs, src3, dst3, ex3, den2, n_src, n_acc):
    erows = NROWS // NS
    stripe = n_acc // NS

    @functools.partial(
        pl.kernel, mesh=_mesh, compiler_params=_sc_params,
        out_type=tuple(
            jax.ShapeDtypeStruct((n_acc, 128), jnp.float32) for _ in range(4)),
        scratch_types=(
            pltpu.VMEM((n_acc,), jnp.float32),
            pltpu.VMEM((512,), jnp.float32),
            pltpu.VMEM((512,), jnp.float32),
            pltpu.VMEM((8, 128), jnp.int32),
            pltpu.VMEM((8, 128), jnp.int32),
            pltpu.VMEM((8, 128), jnp.float32),
            pltpu.VMEM((8, 128), jnp.float32),
            pltpu.VMEM((128, 128), jnp.float32),
            pltpu.VMEM((128, 128), jnp.float32),
            pltpu.VMEM((8, 128), jnp.float32),
            pltpu.VMEM_SHARED((n_acc, 128), jnp.float32),
            pltpu.SemaphoreType.DMA,
            pltpu.SemaphoreType.DMA,
        ),
    )
    def e2k(h0, h1, h2, h3, src_h, dst_h, ex_h, den_h, o0, o1, o2, o3,
            den_v, da_v, db_v, src8_v, dst8_v, ex8_v, al8_v, rows_a, rows_b,
            ab_v, acc_sh, sem_a, sem_b):
        c = lax.axis_index("c")
        s = lax.axis_index("s")
        a0 = s * stripe

        def dsum(j, carry):
            pltpu.sync_copy(den_h.at[pl.ds(j * 512, 512)], da_v)
            pltpu.sync_copy(den_h.at[pl.ds(n_acc + j * 512, 512)], db_v)

            def dadd(i, carry2):
                den_v[pl.ds(j * 512 + i * L, L)] = (
                    da_v[pl.ds(i * L, L)] + db_v[pl.ds(i * L, L)])
                return carry2
            lax.fori_loop(0, 512 // L, dadd, 0)
            return carry
        lax.fori_loop(0, n_acc // 512, dsum, 0)

        def slab_pass(h_ref, o_ref):
            def zz(i, carry):
                ab_v[i // 8, pl.ds((i % 8) * L, L)] = jnp.zeros(
                    (L,), jnp.float32)
                return carry
            lax.fori_loop(0, 8 * 8, zz, 0)

            def zstripe(j, carry):
                pltpu.sync_copy(ab_v, acc_sh.at[pl.ds(a0 + j * 8, 8)])
                return carry
            lax.fori_loop(0, stripe // 8, zstripe, 0)
            plsc.subcore_barrier()

            def scale(b, rows_v):
                @plsc.parallel_loop(0, 128, unroll=4)
                def _(i):
                    a16 = al8_v[b, pl.ds((i // L) * L, L)]
                    sp = _dyn_gather(
                        a16, jnp.broadcast_to(i % L, (L,)).astype(jnp.int32))
                    for v in range(8):
                        rows_v[i, pl.ds(v * L, L)] = (
                            rows_v[i, pl.ds(v * L, L)] * sp)

            def block_body(blk0, bsz):
                pltpu.sync_copy(src_h.at[s].at[pl.ds(blk0, bsz)],
                                src8_v.at[pl.ds(0, bsz)])
                pltpu.sync_copy(dst_h.at[s].at[pl.ds(blk0, bsz)],
                                dst8_v.at[pl.ds(0, bsz)])
                pltpu.sync_copy(ex_h.at[s].at[pl.ds(blk0, bsz)],
                                ex8_v.at[pl.ds(0, bsz)])

                def alpha(g, carry):
                    r = g // 8
                    cs = (g % 8) * L
                    dst16 = dst8_v[r, pl.ds(cs, L)]
                    d16 = plsc.load_gather(den_v, [dst16])
                    al8_v[r, pl.ds(cs, L)] = (
                        ex8_v[r, pl.ds(cs, L)] / (d16 + 1e-16))
                    return carry
                lax.fori_loop(0, bsz * 8, alpha, 0)

                npairs = bsz // 2
                pltpu.async_copy(h_ref.at[src8_v.at[0]], rows_a, sem_a)

                def pair(j, carry):
                    b0 = j * 2
                    pltpu.async_copy(h_ref.at[src8_v.at[b0 + 1]], rows_b,
                                     sem_b)
                    pltpu.make_async_copy(h_ref.at[src8_v.at[b0]], rows_a,
                                          sem_a).wait()
                    scale(b0, rows_a)
                    pltpu.sync_copy(rows_a, acc_sh.at[dst8_v.at[b0]],
                                    add=True)

                    @pl.when(j + 1 < npairs)
                    def _():
                        pltpu.async_copy(h_ref.at[src8_v.at[b0 + 2]],
                                         rows_a, sem_a)
                    pltpu.make_async_copy(h_ref.at[src8_v.at[b0 + 1]],
                                          rows_b, sem_b).wait()
                    scale(b0 + 1, rows_b)
                    pltpu.sync_copy(rows_b, acc_sh.at[dst8_v.at[b0 + 1]],
                                    add=True)
                    return carry
                lax.fori_loop(0, npairs, pair, 0)

            def fullblk(jb, carry):
                block_body(pl.multiple_of(jb * 8, 8), 8)
                return carry
            lax.fori_loop(0, erows // 8, fullblk, 0)
            if erows % 8:
                block_body(pl.multiple_of((erows // 8) * 8, 8), erows % 8)
            plsc.subcore_barrier()

            def dump(j, carry):
                pltpu.sync_copy(acc_sh.at[pl.ds(a0 + j * 8, 8)], ab_v)
                pltpu.sync_copy(ab_v, o_ref.at[pl.ds(a0 + j * 8, 8)])
                return carry
            lax.fori_loop(0, stripe // 8, dump, 0)
            plsc.subcore_barrier()

        @pl.when(c == 0)
        def _():
            slab_pass(h0, o0)
            slab_pass(h1, o1)

        @pl.when(c == 1)
        def _():
            slab_pass(h2, o2)
            slab_pass(h3, o3)

    return e2k(*h_slabs, src3, dst3, ex3, den2)



REL_INFO = {
    "ss": ("struct", "struct", 10000, 10240, 10000),
    "sw": ("struct", "word", 10000, 10240, 20000),
    "dw": ("df", "word", 5000, 5120, 20000),
    "pw": ("pf", "word", 5000, 5120, 20000),
    "wd": ("word", "df", 5000, 5120, 5000),
    "wp": ("word", "pf", 5000, 5120, 5000),
}


def _pad_edges(ei, n_src_eff, n_acc):
    src = ei[0].astype(jnp.int32)
    dst = ei[1].astype(jnp.int32)
    npad = E_PAD - E
    fill = np.arange(npad, dtype=np.int32)
    src1 = jnp.concatenate([src, jnp.asarray(fill % n_src_eff)])
    dst1 = jnp.concatenate([dst, jnp.asarray(fill % n_acc)])
    e1w = E_PAD // (NC * NS)
    return (src1,
            src1.reshape(NS, NROWS // NS, 128),
            dst1.reshape(NC * NS, e1w // 128, 128),
            dst1.reshape(NS, NROWS // NS, 128))


def _gat_rel(xd, r, pr, eis_pad):
    st, dt, n_src_eff, n_acc, n_dst_full = REL_INFO[r]
    watt = jnp.stack([pr["att_src"], pr["att_dst"]], axis=1)
    xs = xd[st][:n_src_eff]
    h_slabs_att = _mm_slab(xs, pr["W"], watt)
    h_slabs, att_s = h_slabs_att[:4], h_slabs_att[4]
    if st == dt:
        att_d = att_s
    else:
        n_d = min(n_acc, n_dst_full)
        att_d = _mm_att_only(xd[dt][:n_d], pr["W"], watt)
    asrc = att_s[:, 0]
    adst = att_d[:, 1]
    if adst.shape[0] < n_acc:
        adst = jnp.pad(adst, (0, n_acc - adst.shape[0]))
    src1, src3, dst3_e1, dst3_e2 = eis_pad[r]
    ex1, den2 = _e1(asrc, adst, src1, dst3_e1, n_src=n_src_eff, n_acc=n_acc)
    ex3 = ex1.reshape(NS, NROWS // NS, 128)
    return _e2(h_slabs, src3, dst3_e2, ex3, den2,
               n_src=n_src_eff, n_acc=n_acc)


def kernel(x_struct, x_word, x_df, x_pf, ei_ss, ei_sw, ei_wd, ei_dw, ei_wp, ei_pw, params):
    eis = {"ss": ei_ss, "sw": ei_sw, "wd": ei_wd,
           "dw": ei_dw, "wp": ei_wp, "pw": ei_pw}
    eis_pad = {}
    for r, (st, dt, n_src_eff, n_acc, _) in REL_INFO.items():
        eis_pad[r] = _pad_edges(eis[r], n_src_eff, n_acc)

    def layer(xd, p, rels):
        agg = {r: _gat_rel(xd, r, p[r], eis_pad) for r in rels}
        out = {}
        if "ss" in rels:
            x = _ep1(agg["ss"], p["ss"]["b"])
            out["struct"] = x[:10000]
        bsum = p["sw"]["b"] + p["dw"]["b"] + p["pw"]["b"]
        w = _ep3(agg["sw"],
                 [jnp.pad(a, ((0, 5120), (0, 0))) for a in agg["dw"]],
                 [jnp.pad(a, ((0, 5120), (0, 0))) for a in agg["pw"]],
                 bsum)
        tail = jnp.broadcast_to(jax.nn.relu(bsum / 3.0), (10000, HID))
        out["word"] = jnp.concatenate([w[:10000], tail])
        if "wd" in rels:
            out["df"] = _ep1(agg["wd"], p["wd"]["b"])[:5000]
            out["pf"] = _ep1(agg["wp"], p["wp"]["b"])[:5000]
        return out

    xd = {"struct": x_struct, "word": x_word, "df": x_df, "pf": x_pf}
    all_rels = ["ss", "sw", "dw", "pw", "wd", "wp"]
    xd = layer(xd, params["l1"], all_rels)
    xd = layer(xd, params["l2"], all_rels)
    xd3 = layer(xd, params["l3"], ["sw", "dw", "pw"])
    return _fc(xd3["word"], params["fc"]["W"], params["fc"]["b"])

# --- scband reference (transcript-rebuilt; emitter-appended) ---
"""Pipeline reference for scband-struct-hetero-sage-5815385719107 (READ-ONLY COPY).

The authoritative reference and input builder live on the scoring server;
editing this copy changes nothing except your own understanding.
"""

import jax, jax.numpy as jnp
import numpy as np

N_STRUCT = 10000
N_WORD = 20000
N_DF = 5000
N_PF = 5000
E = 100000
IN = 768
HID = 512
OUT = 512
RELS = ["ss", "sw", "wd", "dw", "wp", "pw"]


def _gat_params(key, din, dout):
    k1, k2, k3 = jax.random.split(key, 3)
    return {
        "W": jax.random.normal(k1, (din, dout), jnp.float32) * 0.05,
        "att_src": jax.random.normal(k2, (dout,), jnp.float32) * 0.05,
        "att_dst": jax.random.normal(k3, (dout,), jnp.float32) * 0.05,
        "b": jnp.zeros((dout,), jnp.float32),
    }


def setup_inputs(seed: int = 0) -> dict:
    key = jax.random.key(seed)
    ks = jax.random.split(key, 40)
    x_struct = jax.random.normal(ks[0], (N_STRUCT, IN), jnp.float32)
    x_word = jax.random.normal(ks[1], (N_WORD, IN), jnp.float32)
    x_df = jax.random.normal(ks[2], (N_DF, IN), jnp.float32)
    x_pf = jax.random.normal(ks[3], (N_PF, IN), jnp.float32)
    ei_ss = jax.random.randint(ks[4], (2, E), 0, 10000, jnp.int64 if jax.config.jax_enable_x64 else jnp.int32)
    ei_sw = jax.random.randint(ks[5], (2, E), 0, 10000, ei_ss.dtype)
    ei_wd = jax.random.randint(ks[6], (2, E), 0, 5000, ei_ss.dtype)
    ei_dw = jax.random.randint(ks[7], (2, E), 0, 5000, ei_ss.dtype)
    ei_wp = jax.random.randint(ks[8], (2, E), 0, 5000, ei_ss.dtype)
    ei_pw = jax.random.randint(ks[9], (2, E), 0, 5000, ei_ss.dtype)
    params = {}
    idx = 10
    for li, din in zip(["l1", "l2", "l3"], [IN, HID, HID]):
        layer = {}
        for r in RELS:
            layer[r] = _gat_params(ks[idx], din, HID)
            idx += 1
        params[li] = layer
    params["fc"] = {
        "W": jax.random.normal(ks[idx], (HID, OUT), jnp.float32) * 0.05,
        "b": jnp.zeros((OUT,), jnp.float32),
    }
    return {
        "x_struct": x_struct, "x_word": x_word, "x_df": x_df, "x_pf": x_pf,
        "ei_ss": ei_ss, "ei_sw": ei_sw, "ei_wd": ei_wd, "ei_dw": ei_dw,
        "ei_wp": ei_wp, "ei_pw": ei_pw, "params": params,
    }


def reference(x_struct, x_word, x_df, x_pf, ei_ss, ei_sw, ei_wd, ei_dw, ei_wp, ei_pw, params):
    def gat(xs, xd, ei, p, n_dst):
        # PyG GATConv, heads=1, concat=True, add_self_loops=False, shared lin for src/dst
        hs = xs @ p["W"]
        hd = xd @ p["W"]
        src, dst = ei[0], ei[1]
        e = (hs @ p["att_src"])[src] + (hd @ p["att_dst"])[dst]
        e = jax.nn.leaky_relu(e, 0.2)
        m = jax.ops.segment_max(e, dst, num_segments=n_dst)
        ex = jnp.exp(e - m[dst])
        den = jax.ops.segment_sum(ex, dst, num_segments=n_dst)
        alpha = ex / (den[dst] + 1e-16)
        out = jax.ops.segment_sum(hs[src] * alpha[:, None], dst, num_segments=n_dst)
        return out + p["b"]

    def hetero_layer(xd_, p):
        s = gat(xd_["struct"], xd_["struct"], ei_ss, p["ss"], N_STRUCT)
        w = (gat(xd_["struct"], xd_["word"], ei_sw, p["sw"], N_WORD)
             + gat(xd_["df"], xd_["word"], ei_dw, p["dw"], N_WORD)
             + gat(xd_["pf"], xd_["word"], ei_pw, p["pw"], N_WORD)) / 3.0
        d = gat(xd_["word"], xd_["df"], ei_wd, p["wd"], N_DF)
        pf = gat(xd_["word"], xd_["pf"], ei_wp, p["wp"], N_PF)
        return {"struct": jax.nn.relu(s), "word": jax.nn.relu(w),
                "df": jax.nn.relu(d), "pf": jax.nn.relu(pf)}

    xd = {"struct": x_struct, "word": x_word, "df": x_df, "pf": x_pf}
    xd = hetero_layer(xd, params["l1"])
    xd = hetero_layer(xd, params["l2"])
    xd = hetero_layer(xd, params["l3"])
    return xd["word"] @ params["fc"]["W"] + params["fc"]["b"]

if __name__ == "__main__":
    import jax
    _d = setup_inputs()
    print(jax.jit(kernel)(*tuple(_d.values())))

</pallas_src>

<mosaic_0001>
#map = affine_map<(d0, d1) -> (0)>
#map1 = affine_map<(d0, d1) -> (0, 0, 0)>
module attributes {stable_mosaic.version = 14 : i64} {
  func.func @e1k(%arg0: i32, %arg1: i32, %arg2: memref<10000xf32, #tpu.memory_space<hbm>>, %arg3: memref<10240xf32, #tpu.memory_space<hbm>>, %arg4: memref<102400xi32, #tpu.memory_space<hbm>>, %arg5: memref<32x25x128xi32, #tpu.memory_space<hbm>>, %arg6: memref<32x25x128xf32, #tpu.memory_space<hbm>>, %arg7: memref<20480xf32, #tpu.memory_space<hbm>>, %arg8: memref<10000xf32, #tpu.memory_space<vmem>>, %arg9: memref<10240xf32, #tpu.memory_space<vmem>>, %arg10: memref<3200xi32, #tpu.memory_space<vmem>>, %arg11: memref<25x128xi32, #tpu.memory_space<vmem>>, %arg12: memref<25x128xf32, #tpu.memory_space<vmem>>, %arg13: memref<640xf32, #tpu.memory_space<vmem>>, %arg14: memref<10240xf32, #tpu.memory_space<vmem_shared>>, %arg15: memref<!tpu.dma_semaphore, #tpu.memory_space<semaphore_mem>>) attributes {dimension_semantics = [#tpu.dimension_semantics<core_parallel>, #tpu.dimension_semantics<subcore_parallel>], iteration_bounds = array<i64: 2, 16>, scalar_prefetch = 0 : i64, scratch_operands = 8 : i64, tpu.core_type = #tpu.core_type<sc_vector_subcore>, window_params = [{transform_indices = #map}, {transform_indices = #map}, {transform_indices = #map}, {transform_indices = #map1}, {transform_indices = #map1}, {transform_indices = #map}]} {
    %mul3A = arith.constant 2 : i32
    %mul3A_0 = arith.muli %arg1, %mul3A : i32
    %add3A = arith.addi %mul3A_0, %arg0 : i32
    "tpu.region"() ({
      %run_scoped3A = tpu.sem_alloc : memref<!tpu.dma_semaphore, #tpu.memory_space<semaphore_mem>>
      tpu.enqueue_dma source(%arg2 : memref<10000xf32, #tpu.memory_space<hbm>>) target(%arg8 : memref<10000xf32, #tpu.memory_space<vmem>>) target_semaphore(%run_scoped3A : memref<!tpu.dma_semaphore, #tpu.memory_space<semaphore_mem>>)
      tpu.wait_dma2 semaphore(%run_scoped3A : memref<!tpu.dma_semaphore, #tpu.memory_space<semaphore_mem>>) src(%arg2 : memref<10000xf32, #tpu.memory_space<hbm>>) dst(%arg8 : memref<10000xf32, #tpu.memory_space<vmem>>)
      tpu.yield
    }) : () -> ()
    "tpu.region"() ({
      %run_scoped3A = tpu.sem_alloc : memref<!tpu.dma_semaphore, #tpu.memory_space<semaphore_mem>>
      tpu.enqueue_dma source(%arg3 : memref<10240xf32, #tpu.memory_space<hbm>>) target(%arg9 : memref<10240xf32, #tpu.memory_space<vmem>>) target_semaphore(%run_scoped3A : memref<!tpu.dma_semaphore, #tpu.memory_space<semaphore_mem>>)
      tpu.wait_dma2 semaphore(%run_scoped3A : memref<!tpu.dma_semaphore, #tpu.memory_space<semaphore_mem>>) src(%arg3 : memref<10240xf32, #tpu.memory_space<hbm>>) dst(%arg9 : memref<10240xf32, #tpu.memory_space<vmem>>)
      tpu.yield
    }) : () -> ()
    %mul3A_1 = arith.constant 3200 : i32
    %mul3A_2 = arith.muli %add3A, %mul3A_1 : i32
    "tpu.region"() ({
      %run_scoped3A = tpu.sem_alloc : memref<!tpu.dma_semaphore, #tpu.memory_space<semaphore_mem>>
      %dma_start3A = tpu.memref_slice %arg4[%mul3A_2] : memref<102400xi32, #tpu.memory_space<hbm>> -> memref<3200xi32, #tpu.memory_space<hbm>>
      %dma_start3A_30 = tpu.memref_slice %arg4[%mul3A_2] : memref<102400xi32, #tpu.memory_space<hbm>> -> memref<3200xi32, #tpu.memory_space<hbm>>
      tpu.enqueue_dma source(%dma_start3A_30 : memref<3200xi32, #tpu.memory_space<hbm>>) target(%arg10 : memref<3200xi32, #tpu.memory_space<vmem>>) target_semaphore(%run_scoped3A : memref<!tpu.dma_semaphore, #tpu.memory_space<semaphore_mem>>)
      %dma_wait3A = tpu.memref_slice %arg4[%mul3A_2] : memref<102400xi32, #tpu.memory_space<hbm>> -> memref<3200xi32, #tpu.memory_space<hbm>>
      %dma_wait3A_31 = tpu.memref_slice %arg4[%mul3A_2] : memref<102400xi32, #tpu.memory_space<hbm>> -> memref<3200xi32, #tpu.memory_space<hbm>>
      tpu.wait_dma2 semaphore(%run_scoped3A : memref<!tpu.dma_semaphore, #tpu.memory_space<semaphore_mem>>) src(%dma_wait3A_31 : memref<3200xi32, #tpu.memory_space<hbm>>) dst(%arg10 : memref<3200xi32, #tpu.memory_space<vmem>>)
      tpu.yield
    }) : () -> ()
    "tpu.region"() ({
      %run_scoped3A = tpu.sem_alloc : memref<!tpu.dma_semaphore, #tpu.memory_space<semaphore_mem>>
      %dma_start3A = arith.constant 0 : i32
      %dma_start3A_30 = arith.constant 0 : i32
      %dma_start3A_31 = tpu.memref_slice %arg5[%add3A, %dma_start3A, %dma_start3A_30] : memref<32x25x128xi32, #tpu.memory_space<hbm>> -> memref<1x25x128xi32, #tpu.memory_space<hbm>>
      %dma_start3A_32 = tpu.memref_squeeze %dma_start3A_31 : memref<1x25x128xi32, #tpu.memory_space<hbm>> -> memref<25x128xi32, #tpu.memory_space<hbm>>
      %dma_start3A_33 = arith.constant 0 : i32
      %dma_start3A_34 = arith.constant 0 : i32
      %dma_start3A_35 = tpu.memref_slice %arg5[%add3A, %dma_start3A_33, %dma_start3A_34] : memref<32x25x128xi32, #tpu.memory_space<hbm>> -> memref<1x25x128xi32, #tpu.memory_space<hbm>>
      %dma_start3A_36 = tpu.memref_squeeze %dma_start3A_35 : memref<1x25x128xi32, #tpu.memory_space<hbm>> -> memref<25x128xi32, #tpu.memory_space<hbm>>
      tpu.enqueue_dma source(%dma_start3A_36 : memref<25x128xi32, #tpu.memory_space<hbm>>) target(%arg11 : memref<25x128xi32, #tpu.memory_space<vmem>>) target_semaphore(%run_scoped3A : memref<!tpu.dma_semaphore, #tpu.memory_space<semaphore_mem>>)
      %dma_wait3A = arith.constant 0 : i32
      %dma_wait3A_37 = arith.constant 0 : i32
      %dma_wait3A_38 = tpu.memref_slice %arg5[%add3A, %dma_wait3A, %dma_wait3A_37] : memref<32x25x128xi32, #tpu.memory_space<hbm>> -> memref<1x25x128xi32, #tpu.memory_space<hbm>>
      %dma_wait3A_39 = tpu.memref_squeeze %dma_wait3A_38 : memref<1x25x128xi32, #tpu.memory_space<hbm>> -> memref<25x128xi32, #tpu.memory_space<hbm>>
      %dma_wait3A_40 = arith.constant 0 : i32
      %dma_wait3A_41 = arith.constant 0 : i32
      %dma_wait3A_42 = tpu.memref_slice %arg5[%add3A, %dma_wait3A_40, %dma_wait3A_41] : memref<32x25x128xi32, #tpu.memory_space<hbm>> -> memref<1x25x128xi32, #tpu.memory_space<hbm>>
      %dma_wait3A_43 = tpu.memref_squeeze %dma_wait3A_42 : memref<1x25x128xi32, #tpu.memory_space<hbm>> -> memref<25x128xi32, #tpu.memory_space<hbm>>
      tpu.wait_dma2 semaphore(%run_scoped3A : memref<!tpu.dma_semaphore, #tpu.memory_space<semaphore_mem>>) src(%dma_wait3A_43 : memref<25x128xi32, #tpu.memory_space<hbm>>) dst(%arg11 : memref<25x128xi32, #tpu.memory_space<vmem>>)
      tpu.yield
    }) : () -> ()
    %scan3A = arith.constant 0 : i32
    %scan3A_3 = arith.constant 0 : i32
    %scan3A_4 = arith.constant 40 : i32
    %scan3A_5 = arith.addi %scan3A_3, %scan3A_4 : i32
    %scan3A_6 = arith.constant 1 : i32
    scf.for %scan3A_30 = %scan3A_3 to %scan3A_5 step %scan3A_6  : i32 {
      %broadcast_in_dim3A = arith.constant 0.000000e+00 : f32
      %broadcast_in_dim3A_31 = vector.broadcast %broadcast_in_dim3A : f32 to vector<16xf32>
      %mul3A_32 = arith.constant 16 : i32
      %mul3A_33 = arith.muli %scan3A_30, %mul3A_32 : i32
      %swap3A = arith.index_cast %mul3A_33 : i32 to index
      %swap3A_34 = tpu.vector_load %arg13[%swap3A] {strides = array<i32>} : memref<640xf32, #tpu.memory_space<vmem>>, vector<16xf32>,
      tpu.vector_store %arg13[%swap3A], %broadcast_in_dim3A_31 {strides = array<i32>} : memref<640xf32, #tpu.memory_space<vmem>>, vector<16xf32>,
    }
    %scan3A_7 = arith.constant 40 : i32
    %mul3A_8 = arith.constant 640 : i32
    %mul3A_9 = arith.muli %arg1, %mul3A_8 : i32
    "tpu.region"() ({
      %run_scoped3A = tpu.sem_alloc : memref<!tpu.dma_semaphore, #tpu.memory_space<semaphore_mem>>
      %dma_start3A = tpu.memref_slice %arg14[%mul3A_9] : memref<10240xf32, #tpu.memory_space<vmem_shared>> -> memref<640xf32, #tpu.memory_space<vmem_shared>>
      %dma_start3A_30 = tpu.memref_slice %arg14[%mul3A_9] : memref<10240xf32, #tpu.memory_space<vmem_shared>> -> memref<640xf32, #tpu.memory_space<vmem_shared>>
      tpu.enqueue_dma source(%arg13 : memref<640xf32, #tpu.memory_space<vmem>>) target(%dma_start3A_30 : memref<640xf32, #tpu.memory_space<vmem_shared>>) target_semaphore(%run_scoped3A : memref<!tpu.dma_semaphore, #tpu.memory_space<semaphore_mem>>)
      %dma_wait3A = tpu.memref_slice %arg14[%mul3A_9] : memref<10240xf32, #tpu.memory_space<vmem_shared>> -> memref<640xf32, #tpu.memory_space<vmem_shared>>
      %dma_wait3A_31 = tpu.memref_slice %arg14[%mul3A_9] : memref<10240xf32, #tpu.memory_space<vmem_shared>> -> memref<640xf32, #tpu.memory_space<vmem_shared>>
      tpu.wait_dma2 semaphore(%run_scoped3A : memref<!tpu.dma_semaphore, #tpu.memory_space<semaphore_mem>>) src(%arg13 : memref<640xf32, #tpu.memory_space<vmem>>) dst(%dma_wait3A_31 : memref<640xf32, #tpu.memory_space<vmem_shared>>)
      tpu.yield
    }) : () -> ()
    %barrier3A = arith.constant 0 : index
    tpu.barrier barrier_id(%barrier3A)
    %scan3A_10 = arith.constant 0 : i32
    %scan3A_11 = arith.constant 0 : i32
    %scan3A_12 = arith.constant 200 : i32
    %scan3A_13 = arith.addi %scan3A_11, %scan3A_12 : i32
    %scan3A_14 = arith.constant 1 : i32
    scf.for %scan3A_30 = %scan3A_11 to %scan3A_13 step %scan3A_14  : i32 {
      %jit3A = arith.constant 8 : i32
      %div3A = arith.divsi %scan3A_30, %jit3A : i32
      %sign3A = arith.constant 0 : i32
      %sign3A_31 = arith.cmpi sgt, %scan3A_30, %sign3A : i32
      %sign3A_32 = arith.extui %sign3A_31 : i1 to i32
      %sign3A_33 = arith.constant 0 : i32
      %sign3A_34 = arith.cmpi slt, %scan3A_30, %sign3A_33 : i32
      %sign3A_35 = arith.extui %sign3A_34 : i1 to i32
      %sign3A_36 = arith.subi %sign3A_32, %sign3A_35 : i32
      %sign3A_37 = arith.constant 0 : i32
      %sign3A_38 = arith.cmpi sgt, %jit3A, %sign3A_37 : i32
      %sign3A_39 = arith.extui %sign3A_38 : i1 to i32
      %sign3A_40 = arith.constant 0 : i32
      %sign3A_41 = arith.cmpi slt, %jit3A, %sign3A_40 : i32
      %sign3A_42 = arith.extui %sign3A_41 : i1 to i32
      %sign3A_43 = arith.subi %sign3A_39, %sign3A_42 : i32
      %ne3A = arith.cmpi ne, %sign3A_36, %sign3A_43 : i32
      %rem3A = arith.remsi %scan3A_30, %jit3A : i32
      %ne3A_44 = arith.constant 0 : i32
      %ne3A_45 = arith.cmpi ne, %rem3A, %ne3A_44 : i32
      %and3A = arith.andi %ne3A, %ne3A_45 : i1
      %sub3A = arith.constant 1 : i32
      %sub3A_46 = arith.subi %div3A, %sub3A : i32
      %select_n3A = arith.select %and3A, %sub3A_46, %div3A : i32
      %jit3A_47 = arith.constant 8 : i32
      %eq3A = arith.constant 0 : i32
      %eq3A_48 = arith.cmpi eq, %jit3A_47, %eq3A : i32
      %jit3A_49 = arith.constant 1 : i32
      %select_n3A_50 = arith.select %eq3A_48, %jit3A_49, %jit3A_47 : i32
      %rem3A_51 = arith.remsi %scan3A_30, %select_n3A_50 : i32
      %ne3A_52 = arith.constant 0 : i32
      %ne3A_53 = arith.cmpi ne, %rem3A_51, %ne3A_52 : i32
      %lt3A = arith.constant 0 : i32
      %lt3A_54 = arith.cmpi slt, %rem3A_51, %lt3A : i32
      %lt3A_55 = arith.constant 0 : i32
      %lt3A_56 = arith.cmpi slt, %select_n3A_50, %lt3A_55 : i32
      %ne3A_57 = arith.xori %lt3A_54, %lt3A_56 : i1
      %and3A_58 = arith.andi %ne3A_57, %ne3A_53 : i1
      %add3A_59 = arith.addi %rem3A_51, %select_n3A_50 : i32
      %select_n3A_60 = arith.select %and3A_58, %add3A_59, %rem3A_51 : i32
      %mul3A_61 = arith.constant 16 : i32
      %mul3A_62 = arith.muli %select_n3A_60, %mul3A_61 : i32
      %mul3A_63 = arith.constant 16 : i32
      %mul3A_64 = arith.muli %scan3A_30, %mul3A_63 : i32
      %get3A = arith.index_cast %mul3A_64 : i32 to index
      %get3A_65 = tpu.vector_load %arg10[%get3A] {strides = array<i32>} : memref<3200xi32, #tpu.memory_space<vmem>>, vector<16xi32>,
      %get3A_66 = arith.index_cast %select_n3A : i32 to index
      %get3A_67 = arith.index_cast %mul3A_62 : i32 to index
      %get3A_68 = tpu.vector_load %arg11[%get3A_66, %get3A_67] {strides = array<i32>} : memref<25x128xi32, #tpu.memory_space<vmem>>, vector<16xi32>,
      %gather3A = tpu.vector_load_idx %arg8[%get3A_65] : memref<10000xf32, #tpu.memory_space<vmem>>[vector<16xi32>], vector<16xf32>,
      %gather3A_69 = tpu.vector_load_idx %arg9[%get3A_68] : memref<10240xf32, #tpu.memory_space<vmem>>[vector<16xi32>], vector<16xf32>,
      %add3A_70 = arith.addf %gather3A, %gather3A_69 : vector<16xf32>
      %ge3A = arith.constant 0.000000e+00 : f32
      %ge3A_71 = vector.broadcast %ge3A : f32 to vector<16xf32>
      %ge3A_72 = arith.cmpf oge, %add3A_70, %ge3A_71 : vector<16xf32>
      %mul3A_73 = arith.constant 2.000000e-01 : f32
      %mul3A_74 = vector.broadcast %mul3A_73 : f32 to vector<16xf32>
      %mul3A_75 = arith.mulf %mul3A_74, %add3A_70 : vector<16xf32>
      %select_n3A_76 = arith.select %ge3A_72, %add3A_70, %mul3A_75 : vector<16xi1>, vector<16xf32>
      %exp3A = math.exp %select_n3A_76 : vector<16xf32>
      %mul3A_77 = arith.constant 3200 : i32
      %mul3A_78 = arith.muli %add3A, %mul3A_77 : i32
      %mul3A_79 = arith.constant 16 : i32
      %mul3A_80 = arith.muli %scan3A_30, %mul3A_79 : i32
      %add3A_81 = arith.addi %mul3A_78, %mul3A_80 : i32
      %iota3A = tpu.iota {dimensions = array<i32: 0>} : vector<16xi32>
      %add3A_82 = vector.broadcast %add3A_81 : i32 to vector<16xi32>
      %add3A_83 = arith.addi %add3A_82, %iota3A : vector<16xi32>
      %lt3A_84 = arith.constant 100000 : i32
      %lt3A_85 = vector.broadcast %lt3A_84 : i32 to vector<16xi32>
      %lt3A_86 = arith.cmpi slt, %add3A_83, %lt3A_85 : vector<16xi32>
      %jit3A_87 = arith.constant 0.000000e+00 : f32
      %broadcast_in_dim3A = vector.broadcast %jit3A_87 : f32 to vector<16xf32>
      %select_n3A_88 = arith.select %lt3A_86, %exp3A, %broadcast_in_dim3A : vector<16xi1>, vector<16xf32>
      %swap3A = arith.index_cast %select_n3A : i32 to index
      %swap3A_89 = arith.index_cast %mul3A_62 : i32 to index
      %swap3A_90 = tpu.vector_load %arg12[%swap3A, %swap3A_89] {strides = array<i32>} : memref<25x128xf32, #tpu.memory_space<vmem>>, vector<16xf32>,
      tpu.vector_store %arg12[%swap3A, %swap3A_89], %select_n3A_88 {strides = array<i32>} : memref<25x128xf32, #tpu.memory_space<vmem>>, vector<16xf32>,
    }
    %scan3A_15 = arith.constant 200 : i32
    "tpu.region"() ({
      %run_scoped3A = tpu.sem_alloc : memref<!tpu.dma_semaphore, #tpu.memory_space<semaphore_mem>>
      %dma_start3A = arith.constant 0 : i32
      %dma_start3A_30 = arith.constant 0 : i32
      %dma_start3A_31 = tpu.memref_slice %arg6[%add3A, %dma_start3A, %dma_start3A_30] : memref<32x25x128xf32, #tpu.memory_space<hbm>> -> memref<1x25x128xf32, #tpu.memory_space<hbm>>
      %dma_start3A_32 = tpu.memref_squeeze %dma_start3A_31 : memref<1x25x128xf32, #tpu.memory_space<hbm>> -> memref<25x128xf32, #tpu.memory_space<hbm>>
      %dma_start3A_33 = arith.constant 0 : i32
      %dma_start3A_34 = arith.constant 0 : i32
      %dma_start3A_35 = tpu.memref_slice %arg6[%add3A, %dma_start3A_33, %dma_start3A_34] : memref<32x25x128xf32, #tpu.memory_space<hbm>> -> memref<1x25x128xf32, #tpu.memory_space<hbm>>
      %dma_start3A_36 = tpu.memref_squeeze %dma_start3A_35 : memref<1x25x128xf32, #tpu.memory_space<hbm>> -> memref<25x128xf32, #tpu.memory_space<hbm>>
      tpu.enqueue_dma source(%arg12 : memref<25x128xf32, #tpu.memory_space<vmem>>) target(%dma_start3A_36 : memref<25x128xf32, #tpu.memory_space<hbm>>) target_semaphore(%run_scoped3A : memref<!tpu.dma_semaphore, #tpu.memory_space<semaphore_mem>>)
      %dma_wait3A = arith.constant 0 : i32
      %dma_wait3A_37 = arith.constant 0 : i32
      %dma_wait3A_38 = tpu.memref_slice %arg6[%add3A, %dma_wait3A, %dma_wait3A_37] : memref<32x25x128xf32, #tpu.memory_space<hbm>> -> memref<1x25x128xf32, #tpu.memory_space<hbm>>
      %dma_wait3A_39 = tpu.memref_squeeze %dma_wait3A_38 : memref<1x25x128xf32, #tpu.memory_space<hbm>> -> memref<25x128xf32, #tpu.memory_space<hbm>>
      %dma_wait3A_40 = arith.constant 0 : i32
      %dma_wait3A_41 = arith.constant 0 : i32
      %dma_wait3A_42 = tpu.memref_slice %arg6[%add3A, %dma_wait3A_40, %dma_wait3A_41] : memref<32x25x128xf32, #tpu.memory_space<hbm>> -> memref<1x25x128xf32, #tpu.memory_space<hbm>>
      %dma_wait3A_43 = tpu.memref_squeeze %dma_wait3A_42 : memref<1x25x128xf32, #tpu.memory_space<hbm>> -> memref<25x128xf32, #tpu.memory_space<hbm>>
      tpu.wait_dma2 semaphore(%run_scoped3A : memref<!tpu.dma_semaphore, #tpu.memory_space<semaphore_mem>>) src(%arg12 : memref<25x128xf32, #tpu.memory_space<vmem>>) dst(%dma_wait3A_43 : memref<25x128xf32, #tpu.memory_space<hbm>>)
      tpu.yield
    }) : () -> ()
    %scan3A_16 = arith.constant 0 : i32
    %scan3A_17 = arith.constant 0 : i32
    %scan3A_18 = arith.constant 25 : i32
    %scan3A_19 = arith.addi %scan3A_17, %scan3A_18 : i32
    %scan3A_20 = arith.constant 1 : i32
    scf.for %scan3A_30 = %scan3A_17 to %scan3A_19 step %scan3A_20  : i32 {
      "tpu.region"() ({
        %run_scoped3A = tpu.sem_alloc : memref<!tpu.dma_semaphore, #tpu.memory_space<semaphore_mem>>
        %dma_start3A = arith.constant 0 : i32
        %dma_start3A_31 = tpu.memref_slice %arg12[%scan3A_30, %dma_start3A] : memref<25x128xf32, #tpu.memory_space<vmem>> -> memref<1x128xf32, #tpu.memory_space<vmem>>
        %dma_start3A_32 = tpu.memref_squeeze %dma_start3A_31 : memref<1x128xf32, #tpu.memory_space<vmem>> -> memref<128xf32, #tpu.memory_space<vmem>>
        %dma_start3A_33 = arith.constant 0 : i32
        %dma_start3A_34 = tpu.memref_slice %arg11[%scan3A_30, %dma_start3A_33] : memref<25x128xi32, #tpu.memory_space<vmem>> -> memref<1x128xi32, #tpu.memory_space<vmem>>
        %dma_start3A_35 = tpu.memref_squeeze %dma_start3A_34 : memref<1x128xi32, #tpu.memory_space<vmem>> -> memref<128xi32, #tpu.memory_space<vmem>>
        %dma_start3A_36 = arith.constant 0 : i32
        %dma_start3A_37 = tpu.memref_slice %arg14[%dma_start3A_36] : memref<10240xf32, #tpu.memory_space<vmem_shared>> -> memref<10240xf32, #tpu.memory_space<vmem_shared>>
        tpu.enqueue_indirect_dma source(%dma_start3A_32 : memref<128xf32, #tpu.memory_space<vmem>>) target(%dma_start3A_37 : memref<10240xf32, #tpu.memory_space<vmem_shared>>) offsets(%dma_start3A_35 : memref<128xi32, #tpu.memory_space<vmem>>) semaphore(%run_scoped3A : memref<!tpu.dma_semaphore, #tpu.memory_space<semaphore_mem>>) {add = true}
        %dma_wait3A = arith.constant 0 : i32
        %dma_wait3A_38 = tpu.memref_slice %arg12[%scan3A_30, %dma_wait3A] : memref<25x128xf32, #tpu.memory_space<vmem>> -> memref<1x128xf32, #tpu.memory_space<vmem>>
        %dma_wait3A_39 = tpu.memref_squeeze %dma_wait3A_38 : memref<1x128xf32, #tpu.memory_space<vmem>> -> memref<128xf32, #tpu.memory_space<vmem>>
        %dma_wait3A_40 = arith.constant 0 : i32
        %dma_wait3A_41 = tpu.memref_slice %arg11[%scan3A_30, %dma_wait3A_40] : memref<25x128xi32, #tpu.memory_space<vmem>> -> memref<1x128xi32, #tpu.memory_space<vmem>>
        %dma_wait3A_42 = tpu.memref_squeeze %dma_wait3A_41 : memref<1x128xi32, #tpu.memory_space<vmem>> -> memref<128xi32, #tpu.memory_space<vmem>>
        %dma_wait3A_43 = arith.constant 0 : i32
        %dma_wait3A_44 = tpu.memref_slice %arg14[%dma_wait3A_43] : memref<10240xf32, #tpu.memory_space<vmem_shared>> -> memref<10240xf32, #tpu.memory_space<vmem_shared>>
        tpu.wait_indirect_dma semaphore(%run_scoped3A : memref<!tpu.dma_semaphore, #tpu.memory_space<semaphore_mem>>) src(%dma_wait3A_39 : memref<128xf32, #tpu.memory_space<vmem>>) dst(%dma_wait3A_44 : memref<10240xf32, #tpu.memory_space<vmem_shared>>)
        tpu.yield
      }) : () -> ()
    }
    %scan3A_21 = arith.constant 25 : i32
    %barrier3A_22 = arith.constant 0 : index
    tpu.barrier barrier_id(%barrier3A_22)
    %mul3A_23 = arith.constant 640 : i32
    %mul3A_24 = arith.muli %arg1, %mul3A_23 : i32
    "tpu.region"() ({
      %run_scoped3A = tpu.sem_alloc : memref<!tpu.dma_semaphore, #tpu.memory_space<semaphore_mem>>
      %dma_start3A = tpu.memref_slice %arg14[%mul3A_24] : memref<10240xf32, #tpu.memory_space<vmem_shared>> -> memref<640xf32, #tpu.memory_space<vmem_shared>>
      %dma_start3A_30 = tpu.memref_slice %arg14[%mul3A_24] : memref<10240xf32, #tpu.memory_space<vmem_shared>> -> memref<640xf32, #tpu.memory_space<vmem_shared>>
      tpu.enqueue_dma source(%dma_start3A_30 : memref<640xf32, #tpu.memory_space<vmem_shared>>) target(%arg13 : memref<640xf32, #tpu.memory_space<vmem>>) target_semaphore(%run_scoped3A : memref<!tpu.dma_semaphore, #tpu.memory_space<semaphore_mem>>)
      %dma_wait3A = tpu.memref_slice %arg14[%mul3A_24] : memref<10240xf32, #tpu.memory_space<vmem_shared>> -> memref<640xf32, #tpu.memory_space<vmem_shared>>
      %dma_wait3A_31 = tpu.memref_slice %arg14[%mul3A_24] : memref<10240xf32, #tpu.memory_space<vmem_shared>> -> memref<640xf32, #tpu.memory_space<vmem_shared>>
      tpu.wait_dma2 semaphore(%run_scoped3A : memref<!tpu.dma_semaphore, #tpu.memory_space<semaphore_mem>>) src(%dma_wait3A_31 : memref<640xf32, #tpu.memory_space<vmem_shared>>) dst(%arg13 : memref<640xf32, #tpu.memory_space<vmem>>)
      tpu.yield
    }) : () -> ()
    %mul3A_25 = arith.constant 10240 : i32
    %mul3A_26 = arith.muli %arg0, %mul3A_25 : i32
    %mul3A_27 = arith.constant 640 : i32
    %mul3A_28 = arith.muli %arg1, %mul3A_27 : i32
    %add3A_29 = arith.addi %mul3A_26, %mul3A_28 : i32
    "tpu.region"() ({
      %run_scoped3A = tpu.sem_alloc : memref<!tpu.dma_semaphore, #tpu.memory_space<semaphore_mem>>
      %dma_start3A = tpu.memref_slice %arg7[%add3A_29] : memref<20480xf32, #tpu.memory_space<hbm>> -> memref<640xf32, #tpu.memory_space<hbm>>
      %dma_start3A_30 = tpu.memref_slice %arg7[%add3A_29] : memref<20480xf32, #tpu.memory_space<hbm>> -> memref<640xf32, #tpu.memory_space<hbm>>
      tpu.enqueue_dma source(%arg13 : memref<640xf32, #tpu.memory_space<vmem>>) target(%dma_start3A_30 : memref<640xf32, #tpu.memory_space<hbm>>) target_semaphore(%run_scoped3A : memref<!tpu.dma_semaphore, #tpu.memory_space<semaphore_mem>>)
      %dma_wait3A = tpu.memref_slice %arg7[%add3A_29] : memref<20480xf32, #tpu.memory_space<hbm>> -> memref<640xf32, #tpu.memory_space<hbm>>
      %dma_wait3A_31 = tpu.memref_slice %arg7[%add3A_29] : memref<20480xf32, #tpu.memory_space<hbm>> -> memref<640xf32, #tpu.memory_space<hbm>>
      tpu.wait_dma2 semaphore(%run_scoped3A : memref<!tpu.dma_semaphore, #tpu.memory_space<semaphore_mem>>) src(%arg13 : memref<640xf32, #tpu.memory_space<vmem>>) dst(%dma_wait3A_31 : memref<640xf32, #tpu.memory_space<hbm>>)
      tpu.yield
    }) : () -> ()
    return
  }
}

</mosaic_0001>

<sc_bundles>
// kernel: _e1.3.cloned.1.call-start
scs
__scs_entry_jumppad:
0x0: {  	(pc) =	sbr.rel $0x88, $3  }
0x1: {  	(tag) =	ssettag $0x0;
	lr =	simm.s32 $0x1  }
0x2: {  	[smem:$0x3F9D] =	sst lr;
	_ =	strace $0xD0000000  }
0x3: {  	_ = 	snop  }
0x4: {  	_ = 	snop  }
0x5: {  	_ = 	snop  }
0x6: {  	_ = 	snop  }
0x7: {  	_ = 	snop  }
__scs_overlays_trampoline_lowered:
0x8: {  	[smem:$0x3FAC] =	sst s0  }
0x9: {  	[smem:$0x3FAD] =	sst s1  }
0xa: {  	[smem:$0x3FAE] =	sst s2  }
0xb: {  	[smem:$0x3FAF] =	sst s3  }
0xc: {  	[smem:$0x3FB0] =	sst s4  }
0xd: {  	[smem:$0x3FB1] =	sst s5  }
0xe: {  	[smem:$0x3FB2] =	sst s6  }
0xf: {  	[smem:$0x3FB3] =	sst s7  }
0x10: {  	[smem:$0x3FB4] =	sst s8  }
0x11: {  	[smem:$0x3FB5] =	sst s9;
	s0 =	simm.s32 @!p0 $0x0  }
0x12: {  	s1 =	sld [smem:$0x3F9B];
	s0 =	simm.s32 @p0 $0x1  }
0x13: {  	[smem:$0x3FB6] =	sst s0;
	s0 =	simm.s32 @!p1 $0x0  }
0x14: {  	s2 =	sld [smem:$0x3F9A];
	s0 =	simm.s32 @p1 $0x1  }
0x15: {  	[smem:$0x3FB7] =	sst s0;
	s0 =	simm.s32 @!p2 $0x0  }
0x16: {  	s3 =	sld [smem:$0x3FDB];
	s0 =	simm.s32 @p2 $0x1  }
0x17: {  	s4 =	simm.s32 $0x1BF5;
	[smem:$0x3FB9] =	sst s0  }
0x18: {  	s0 =	sld [smem:$0x3F9C];
	_ =	swait.ge [sflag:s4], $0x0  }
0x19: {  	s7 =	sld [smem:$0x3F9D]  }
0x1a: {  	s8 =	sadd.s32 $0xFFFFE003, lr  }
0x1b: {  	s9 =	sadd.s32 $0xFFFFFEF7, lr;
	s5 =	simm.s32 $0xFFFFFFFF;
	p2 =	slt.u32 s8, $0xFFFFF086  }
0x1c: {  	p1 =	slt.u32 s9, $0xF7A;
	s5 =	simm.s32 @!p2 $0x0  }
0x1d: {  	s5 =	simm.s32 @p1 $0x1;
	p0 =	seq.s32 s7, s2  }
0x1e: {  	s7 =	smul.u32 @!p0 $0xF7A, s2;
	p2 =	seq.s32 @!p0 s5, $0x0  }
0x1f: {  	s9 =	smul.u32 $0xF7A, s1;
	s8 =	simm.s32 @!p0 $0x1BF5;
	p2 =	por !p2, p0  }
0x20: {  	[sflag:s8] =	ssyncset.s32 @!p0 $0xFFFFF086;
	s6 =	sadd.s32 @!p0 s3, s7;
	s7 =	simm.s32 @!p0 $0x108  }
0x21: {  	s3 =	sadd.s32 s3, s9;
	s6 =	sadd.s32 @!p0 $0x88, s6;
	s7 =	simm.s32 @p2 $0x1082  }
0x22: {  	[simem:s7], [sflag:s8] =	dma.local @!p0 [hbm:s6], $0xF7A  }
0x23: {  	s9 =	sor.u32 $0xD0000000, s2;
	s6 =	simm.s32 $0x108;
	_ =	swait.ge @!p0 [sflag:s8], $0x0  }
0x24: {  	s3 =	sadd.s32 $0x88, s3;
	s6 =	simm.s32 @!p1 $0x1082;
	[sflag:s4] =	ssyncset.s32 $0xFFFFF086  }
0x25: {  	[simem:s6], [sflag:s4] =	dma.local [hbm:s3], $0xF7A  }
0x26: {  	[smem:$0x3F9D] =	sst s1;
	(tag) =	ssettag s2;
	_ =	strace s9  }
0x27: {  	s1 =	sld [smem:$0x3FAD]  }
0x28: {  	s2 =	sld [smem:$0x3FAE]  }
0x29: {  	s4 =	sld [smem:$0x3FB0]  }
0x2a: {  	p0 =	seq.s32 s5, $0x0;
	s5 =	sld [smem:$0x3FB1]  }
0x2b: {  	s6 =	sld [smem:$0x3FB2]  }
0x2c: {  	s7 =	sld [smem:$0x3FB3]  }
0x2d: {  	s3 =	simm.s32 $0x108;
	s8 =	sld [smem:$0x3FB4]  }
0x2e: {  	s3 =	simm.s32 @!p0 $0x1082;
	s9 =	sld [smem:$0x3FB5]  }
0x2f: {  	lr =	sadd.s32 s0, s3;
	s0 =	sld [smem:$0x3FAC]  }
0x30: {  	s3 =	sld [smem:$0x3FAF]  }
0x31: {  	[smem:$0x3FB8] =	sst s10  }
0x32: {  	s10 =	sld [smem:$0x3FB6];
	_ =	sdelay $0x3  }
0x33: {  	p0 =	seq.s32 s10, $0x1;
	s10 =	sld [smem:$0x3FB8];
	_ =	sdelay $0x3  }
0x34: {  	[smem:$0x3FB8] =	sst s10  }
0x35: {  	s10 =	sld [smem:$0x3FB7];
	_ =	sdelay $0x3  }
0x36: {  	p1 =	seq.s32 s10, $0x1;
	s10 =	sld [smem:$0x3FB8];
	_ =	sdelay $0x3  }
0x37: {  	[smem:$0x3FB8] =	sst s10  }
0x38: {  	s10 =	sld [smem:$0x3FB9]  }
0x39: {  	_ = 	snop;
	(pc) =	sbr.ind lr, $3  }
0x3a: {  	_ = 	snop  }
0x3b: {  	_ = 	snop  }
0x3c: {  	p2 =	seq.s32 s10, $0x1;
	s10 =	sld [smem:$0x3FB8]  }
0x3d: {  	_ =	shalt  }
0x3e: {  	_ =	shalt  }
0x3f: {  	_ =	shalt  }
0x40: {  	_ =	shalt  }
0x41: {  	_ =	shalt  }
0x42: {  	_ =	shalt  }
0x43: {  	_ =	shalt  }
0x44: {  	_ =	shalt  }
0x45: {  	_ =	shalt  }
0x46: {  	_ =	shalt  }
0x47: {  	_ =	shalt  }
0x48: {  	_ =	shalt  }
0x49: {  	_ =	shalt  }
0x4a: {  	_ =	shalt  }
0x4b: {  	_ =	shalt  }
0x4c: {  	_ =	shalt  }
0x4d: {  	_ =	shalt  }
0x4e: {  	_ =	shalt  }
0x4f: {  	_ =	shalt  }
0x50: {  	_ =	shalt  }
0x51: {  	_ =	shalt  }
0x52: {  	_ =	shalt  }
0x53: {  	_ =	shalt  }
0x54: {  	_ =	shalt  }
0x55: {  	_ =	shalt  }
0x56: {  	_ =	shalt  }
0x57: {  	_ =	shalt  }
0x58: {  	_ =	shalt  }
0x59: {  	_ =	shalt  }
0x5a: {  	_ =	shalt  }
0x5b: {  	_ =	shalt  }
0x5c: {  	_ =	shalt  }
0x5d: {  	_ =	shalt  }
0x5e: {  	_ =	shalt  }
0x5f: {  	_ =	shalt  }
0x60: {  	_ =	shalt  }
0x61: {  	_ =	shalt  }
0x62: {  	_ =	shalt  }
0x63: {  	_ =	shalt  }
0x64: {  	_ =	shalt  }
0x65: {  	_ =	shalt  }
0x66: {  	_ =	shalt  }
0x67: {  	_ =	shalt  }
0x68: {  	_ =	shalt  }
0x69: {  	_ =	shalt  }
0x6a: {  	_ =	shalt  }
0x6b: {  	_ =	shalt  }
0x6c: {  	_ =	shalt  }
0x6d: {  	_ =	shalt  }
0x6e: {  	_ =	shalt  }
0x6f: {  	_ =	shalt  }
0x70: {  	_ =	shalt  }
0x71: {  	_ =	shalt  }
0x72: {  	_ =	shalt  }
0x73: {  	_ =	shalt  }
0x74: {  	_ =	shalt  }
0x75: {  	_ =	shalt  }
0x76: {  	_ =	shalt  }
0x77: {  	_ =	shalt  }
0x78: {  	_ =	shalt  }
0x79: {  	_ =	shalt  }
0x7a: {  	_ =	shalt  }
0x7b: {  	_ =	shalt  }
0x7c: {  	_ =	shalt  }
0x7d: {  	_ =	shalt  }
0x7e: {  	_ =	shalt  }
0x7f: {  	_ =	shalt  }
0x80: {  	_ =	shalt  }
0x81: {  	_ =	shalt  }
0x82: {  	_ =	shalt  }
0x83: {  	_ =	shalt  }
0x84: {  	_ =	shalt  }
0x85: {  	_ =	shalt  }
0x86: {  	_ =	shalt  }
0x87: {  	_ =	shalt  }
.Lfunc_end0:
.L_simem_size_0:
called_computation_lowered:
.L_overlay_start_0:
0x88: {  	s2 =	sld [smem:$0x3FD9]  }
0x89: {  	s3 =	sld [smem:$0x3FFE];
	_ =	sdelay $0x1  }
0x8a: {  	s1 =	srdreg.scid  }
0x8b: {  	s0 =	sand.u32 $0x1, s1  }
0x8c: {  	s14 =	sshll.u32 s0, $0xA;
	s2 =	sadd.s32 s3, s2  }
0x8d: {  	s2 =	sadd.s32 s2, s14  }
0x8e: {  	[smem:$0x3FC4] =	sst s2  }
0x8f: {  	_ = 	snop  }
0x90: {  	s2 =	sld [smem:$0x3FD0]  }
0x91: {  	s15 =	sld [smem:$0x3FC9]  }
0x92: {  	s4 =	sld [smem:$0x3FC8]  }
0x93: {  	s6 =	simm.s32 $0xA;
	s7 =	simm.s32 $0x10;
	s5 =	sld [smem:$0x3FC7]  }
0x94: {  	[smem:s7], [sflag:s6] =	dma.local [hbm:s2], $0x1  }
0x95: {  	_ =	swait.eq [sflag:s6], $0x1  }
0x96: {  	[sflag:s6] =	ssyncset.done $0x0  }
0x97: {  	[sflag:s6] =	ssyncadd.s32 $0xFFFFFFFF  }
0x98: {  	s16 =	sld [smem:$0x11];
	(tm) =	ssettm $0x1  }
0x99: {  	s17 =	sld [smem:$0x3FFB];
	_ =	sdelay $0x3  }
0x9a: {  	_ =	strace s17  }
0x9b: {  	s6 =	sld [smem:$0x3FFC];
	_ =	sdelay $0x3  }
0x9c: {  	_ =	strace s6  }
0x9d: {  	s6 =	sld [smem:$0x3FFD];
	_ =	sdelay $0x3  }
0x9e: {  	_ =	strace s6  }
0x9f: {  	_ =	strace $0x8FFFFFFF  }
0xa0: {  	s18 =	sld [smem:$0x3FDB];
	_ =	sdelay $0x1  }
0xa1: {  	s19 =	simm.s32 $_scs_section_size  }
0xa2: {  	s8 =	simm.s32 $_size__tile_overlayer_lowered;
	s9 =	simm.s32 $_tile_overlayer_lowered  }
0xa3: {  	s22 =	simm.s32 $0x1BFF;
	s21 =	sshll.u32 s9, $0x1;
	s6 =	sadd.s32 s19, s18  }
0xa4: {  	s10 =	simm.s32 $0x0;
	s20 =	sshll.u32 s8, $0x1;
	s8 =	sadd.s32 s21, s6  }
0xa5: {  	[timem:s10], [sflag:s22] =	dma.local [hbm:s8], s20  }
0xa6: {  	_ =	swait.ge [sflag:s22], s20  }
0xa7: {  	s7 =	ssub.s32 $0x0, s20;
	[sflag:s22] =	ssyncset.done $0x0  }
0xa8: {  	[sflag:s22] =	ssyncadd.s32 s7;
	_ =	sdelay $0x1  }
0xa9: {  	s23 =	simm.s32 $0x1B8B  }
0xaa: {  	_ =	swait.ge [sflag:s23], $0x1  }
0xab: {  	[sflag:s23] =	ssyncset.done $0x0  }
0xac: {  	s25 =	simm.s32 $0x1B8E;
	s24 =	sld [smem:$0x3FFE];
	[sflag:s23] =	ssyncadd.s32 $0xFFFFFFFF  }
0xad: {  	s26 =	simm.s32 $execute0_lowered;
	[smem:$0x3FD2] =	sst s25  }
0xae: {  	s8 =	sshll.u32 s26, $0x1;
	_ =	strace $0x80000046;
	[dreg:$0x1] =	wrdreg $0xFFFFFFFF  }
0xaf: {  	s28 =	simm.s32 $_size_execute0_lowered;
	s6 =	sadd.s32 s6, s8;
	[dreg:$0x0] =	wrdreg $0x0  }
0xb0: {  	s8 =	sshll.u32 s28, $0x1;
	[dreg:$0x2] =	wrdreg s6  }
0xb1: {  	[dreg:$0x3] =	wrdreg s8  }
0xb2: {  	[dreg:$0x4] =	wrdreg $0xC0  }
0xb3: {  	_ =	task [dreg:s10], $0x5FFFF  }
0xb4: {  	[dreg:$0x1] =	wrdreg $0xFFFFFFFF  }
0xb5: {  	[dreg:$0x0] =	wrdreg $0x60  }
0xb6: {  	[dreg:$0x2] =	wrdreg s15  }
0xb7: {  	[dreg:$0x3] =	wrdreg s4  }
0xb8: {  	[dreg:$0x4] =	wrdreg s5  }
0xb9: {  	[dreg:$0x5] =	wrdreg s24  }
0xba: {  	[dreg:$0x6] =	wrdreg s16  }
0xbb: {  	[dreg:$0x7] =	wrdreg $0x7E800  }
0xbc: {  	[dreg:$0x8] =	wrdreg $0x9  }
0xbd: {  	_ =	task.clear_ibuf [dreg:s10], $0x9FFFF;
	_ =	strace $0x90000046  }
0xbe: {  	s29 =	simm.s32 $0x9;
	_ =	strace $0x80000048  }
0xbf: {  	_ =	swait.ge [sflag:s29], $0x1  }
0xc0: {  	[sflag:s29] =	ssyncadd.s32 $0xFFFFFFFF  }
0xc1: {  	_ =	strace $0x90000048  }
0xc2: {  	_ =	sfence  }
0xc3: {  	s30 =	sld [smem:$0x0];
	_ =	sdelay $0x2  }
0xc4: {  	s31 =	sshll.u32 s1, $0xD;
	s1 =	sshrl.u32 s1, $0x2  }
0xc5: {  	s3 =	sand.u32 $0x4000, s31;
	s1 =	sadd.s32 s1, s30  }
0xc6: {  	s0 =	sor.u32 s3, s0;
	s1 =	sshll.u32 s1, $0x11  }
0xc7: {  	s0 =	sor.u32 s1, s0  }
0xc8: {  	s0 =	sadd.s32 $0x8F2B, s0  }
0xc9: {  	[sflag:s0] =	ssyncadd.remote.s32 $0x1  }
0xca: {  	_ =	sfence.sel $0xFFFF  }
0xcb: {  	[dreg:$0x0] =	wrdreg $0xFFFFFFFF;
	(pc) =	sbr.abs _section_cstart, $3  }
0xcc: {  	[dreg:$0x1] =	wrdreg $0xFFFFFFFF  }
0xcd: {  	_ =	task.clear_ibuf [dreg:s10], $0x2FFFF;
	_ =	strace $0x9FFFFFFF  }
0xce: {  	(tm) =	ssettm $0x7FFFFFFF  }
0xcf: {  	_ =	shalt  }
tec
execute0_lowered:
.L_overlay_start_1:
0x0: {  	(tag) =	ssettag $0x1  }
0x1: {  	s1 =	rddreg [dreg:$0x0]  }
0x2: {  	s2 =	rddreg [dreg:$0x1]  }
0x3: {  	s6 =	rddreg [dreg:$0x2]  }
0x4: {  	s7 =	rddreg [dreg:$0x3]  }
0x5: {  	s10 =	rddreg [dreg:$0x4]  }
0x6: {  	s4 =	rddreg [dreg:$0x5]  }
0x7: {  	s0 =	rddreg [dreg:$0x6]  }
0x8: {  	s8 =	srdreg.scid;
	s3 =	stileid.u32;
	s5 =	simm.s32 $0x0  }
0x9: {  	s17 =	simm.s32 $0x7C00;
	s18 =	simm.s32 $0x6C00;
	s19 =	simm.s32 $0x80  }
0xa: {  	s20 =	simm.s32 $0x0;
	s9 =	sand.u32 $0x1, s8;
	s13 =	smul.u32 $0x280, s3  }
0xb: {  	s28 =	sshll.u32 s3, $0x1;
	[smem:$0x7FF] =	sst s5;
	s30 =	smul.u32 $0x1900, s3  }
0xc: {  	s8 =	sor.u32 s9, s28;
	_ =	strace $0x80000047;
	s15 =	smul.u32 $0x2800, s9  }
0xd: {  	s12 =	ssub.s32 $0x2, s9;
	s11 =	smul.u32 $0xC80, s8;
	s8 =	sshll.u32 s8, $0x9  }
0xe: {  	s31 =	smul.u32 $0xC80, s9;
	s14 =	sshrl.u32 s12, $0x1;
	s16 =	sadd.s32 s8, s7  }
0xf: {  	s12 =	ssub.s32 s12, s14;
	s29 =	sadd.s32 s13, s15;
	s8 =	sadd.s32 s13, s4  }
0x10: {  	s13 =	simm.s32 $0x1;
	s14 =	simm.s32 $0x2780;
	s15 =	simm.s32 $0x4F80  }
0x11: {  	s11 =	sshrl.u32 s11, $0x3;
	s7 =	sadd.s32 $0x800, s16;
	s9 =	sadd.s32 $0x4800, s16  }
0x12: {  	s16 =	simm.s32 $0x5C00;
	s6 =	sadd.s32 s6, s11;
	s11 =	sshrl.u32 s29, $0x3  }
0x13: {  	v0 =	vimm.f32 $0.0e+00;
	s10 =	sadd.s32 s10, s11;
	s11 =	smax.u32 s12, $0x1;
	s12 =	sadd.s32 s31, s30  }
.LBB2_1:
0x14: {  	[tilespmem:s5], [sflag:$0x1] =	stream.linear.gather [hbm4b:s1+s5], $0x2780, $0x38;
	[tilespmem:$0x8100] =	vst v63  }
0x15: {  	_ =	swait.ge [sflag:s13], $0x2780  }
0x16: {  	[sflag:s13] =	ssyncset.done $0x0  }
0x17: {  	[sflag:s13] =	ssyncadd.s32 $0xFFFFD880  }
0x18: {  	[tilespmem:s14], [sflag:$0x1] =	stream.linear.gather [hbm4b:s2+s5], $0x2800, $0x38;
	[tilespmem:$0x8100] =	vst v63  }
0x19: {  	_ =	swait.ge [sflag:s13], $0x2800  }
0x1a: {  	[sflag:s13] =	ssyncset.done $0x0  }
0x1b: {  	[sflag:s13] =	ssyncadd.s32 $0xFFFFD800  }
0x1c: {  	[tilespmem:s15], [sflag:$0x1] =	stream.linear.gather [hbm4b:s6+s5], $0xC80, $0x38;
	[tilespmem:$0x8100] =	vst v63  }
0x1d: {  	_ =	swait.ge [sflag:s13], $0xC80  }
0x1e: {  	[sflag:s13] =	ssyncset.done $0x0  }
0x1f: {  	[sflag:s13] =	ssyncadd.s32 $0xFFFFF380  }
0x20: {  	[tilespmem:s16], [sflag:$0x1] =	stream.linear.gather [hbm4b:s7+s5], $0xC80, $0x38;
	[tilespmem:$0x8100] =	vst v63  }
0x21: {  	_ =	swait.ge [sflag:s13], $0xC80  }
0x22: {  	[sflag:s13] =	ssyncset.done $0x0  }
0x23: {  	[sflag:s13] =	ssyncadd.s32 $0xFFFFF380  }
0x24: {  	[tilespmem:$0x7C00] =	vst v0  }
0x25: {  	[tilespmem:$0x7C10] =	vst v0  }
0x26: {  	[tilespmem:$0x7C20] =	vst v0  }
0x27: {  	[tilespmem:$0x7C30] =	vst v0  }
0x28: {  	[tilespmem:$0x7C40] =	vst v0  }
0x29: {  	[tilespmem:$0x7C50] =	vst v0  }
0x2a: {  	[tilespmem:$0x7C60] =	vst v0  }
0x2b: {  	[tilespmem:$0x7C70] =	vst v0  }
0x2c: {  	[tilespmem:$0x7C80] =	vst v0  }
0x2d: {  	[tilespmem:$0x7C90] =	vst v0  }
0x2e: {  	[tilespmem:$0x7CA0] =	vst v0  }
0x2f: {  	[tilespmem:$0x7CB0] =	vst v0  }
0x30: {  	[tilespmem:$0x7CC0] =	vst v0  }
0x31: {  	[tilespmem:$0x7CD0] =	vst v0  }
0x32: {  	[tilespmem:$0x7CE0] =	vst v0  }
0x33: {  	[tilespmem:$0x7CF0] =	vst v0  }
0x34: {  	[tilespmem:$0x7D00] =	vst v0  }
0x35: {  	[tilespmem:$0x7D10] =	vst v0  }
0x36: {  	[tilespmem:$0x7D20] =	vst v0  }
0x37: {  	[tilespmem:$0x7D30] =	vst v0  }
0x38: {  	[tilespmem:$0x7D40] =	vst v0  }
0x39: {  	[tilespmem:$0x7D50] =	vst v0  }
0x3a: {  	[tilespmem:$0x7D60] =	vst v0  }
0x3b: {  	[tilespmem:$0x7D70] =	vst v0  }
0x3c: {  	[tilespmem:$0x7D80] =	vst v0  }
0x3d: {  	[tilespmem:$0x7D90] =	vst v0  }
0x3e: {  	[tilespmem:$0x7DA0] =	vst v0  }
0x3f: {  	[tilespmem:$0x7DB0] =	vst v0  }
0x40: {  	[tilespmem:$0x7DC0] =	vst v0  }
0x41: {  	[tilespmem:$0x7DD0] =	vst v0  }
0x42: {  	[tilespmem:$0x7DE0] =	vst v0  }
0x43: {  	[tilespmem:$0x7DF0] =	vst v0  }
0x44: {  	[tilespmem:$0x7E00] =	vst v0  }
0x45: {  	[tilespmem:$0x7E10] =	vst v0  }
0x46: {  	[tilespmem:$0x7E20] =	vst v0  }
0x47: {  	[tilespmem:$0x7E30] =	vst v0  }
0x48: {  	[tilespmem:$0x7E40] =	vst v0  }
0x49: {  	[tilespmem:$0x7E50] =	vst v0  }
0x4a: {  	[tilespmem:$0x7E60] =	vst v0  }
0x4b: {  	[tilespmem:$0x7E70] =	vst v0  }
0x4c: {  	[spmem:s8] =	stream.linear.scatter [tilespmem:s17], [sflag:$0x1], $0x280, $0x38;
	[tilespmem:$0x8100] =	vst v63  }
0x4d: {  	_ =	swait.ge [sflag:s13], $0x280  }
0x4e: {  	[sflag:s13] =	ssyncset.done $0x0  }
0x4f: {  	[sflag:s13] =	ssyncadd.s32 $0xFFFFFD80  }
0x50: {  	s22 =	simm.s32 $0x0;
	[bflag:$0x0] =	sbarrier.arrive $0xFFFF  }
0x51: {  	v1 =	vld [tilespmem:s22+$0x5C00]  }
0x52: {  	v2 =	vld [tilespmem:s22+$0x4F80];
	_ =	sdelay $0x6  }
0x53: {  	v1 =	vld.idx.msk [tilespmem:v1+s14+$0x0], $0xffff  }
0x54: {  	v2 =	vld.idx.msk [tilespmem:v2+s5+$0x0], $0xffff;
	_ =	sdelay $0x4  }
0x55: {  	v1 =	vadd.f32 v1, v2;
	_ =	sdelay $0x1  }
0x56: {  	v2 =	vmul.f32 $2.000000030e-01, v1  }
0x57: {  	vm0 =	vge.f32 v1, $0.0e+00  }
0x58: {  	v1 =	vsel vm0, v1, v2  }
0x59: {  	v1 =	vmul.f32 $1.442695020e+00, v1;
	_ =	sdelay $0x1  }
0x5a: {  	(erf) = vpow2.f32 v1;
	_ =	sdelay $0x2  }
0x5b: {  	s21 =	simm.s32 $0x10  }
0x5c: {  	v1 =	vld [tilespmem:s21+$0x5C00]  }
0x5d: {  	v2 =	vld [tilespmem:s21+$0x4F80];
	_ =	sdelay $0x3  }
0x5e: {  	p0 =	slt.u32 s12, $0x186A0;
	v3 =	vpop (erf)  }
0x5f: {  	v3 =	vpsel !p0, $0x0, v3  }
0x60: {  	[tilespmem:s22+$0x6C00] =	vst v3  }
0x61: {  	v1 =	vld.idx.msk [tilespmem:v1+s14+$0x0], $0xffff  }
0x62: {  	v2 =	vld.idx.msk [tilespmem:v2+s5+$0x0], $0xffff;
	_ =	sdelay $0x4  }
0x63: {  	v1 =	vadd.f32 v1, v2;
	_ =	sdelay $0x1  }
0x64: {  	v2 =	vmul.f32 $2.000000030e-01, v1  }
0x65: {  	vm15 =	vge.f32 v1, $0.0e+00  }
0x66: {  	v1 =	vsel vm15, v1, v2  }
0x67: {  	v1 =	vmul.f32 $1.442695020e+00, v1;
	_ =	sdelay $0x1  }
0x68: {  	(erf) = vpow2.f32 v1;
	_ =	sdelay $0x2  }
0x69: {  	s24 =	simm.s32 $0x20  }
0x6a: {  	s23 =	simm.s32 $0xC0;
	s22 =	smov.u32 s12;
	v1 =	vld [tilespmem:s24+$0x5C00]  }
.LBB2_2:
0x6b: {  	p0 =	sne.s32 s23, $0x31C0;
	v2 =	vld [tilespmem:s24+$0x4F80];
	_ =	sdelay $0x2  }
0x6c: {  	s22 =	sadd.s32 $0x10, s22  }
0x6d: {  	p1 =	slt.u32 s22, $0x186A0;
	v3 =	vpop (erf)  }
0x6e: {  	v3 =	vpsel !p1, $0x0, v3  }
0x6f: {  	[tilespmem:s21+$0x6C00] =	vst v3;
	s21 =	smov.u32 s24  }
0x70: {  	v1 =	vld.idx.msk [tilespmem:v1+s14+$0x0], $0xffff  }
0x71: {  	v2 =	vld.idx.msk [tilespmem:v2+s5+$0x0], $0xffff;
	_ =	sdelay $0x5  }
0x72: {  	v1 =	vadd.f32 v1, v2;
	_ =	sdelay $0x1  }
0x73: {  	v2 =	vmul.f32 $2.000000030e-01, v1  }
0x74: {  	vm0 =	vge.f32 v1, $0.0e+00  }
0x75: {  	v1 =	vsel vm0, v1, v2  }
0x76: {  	v1 =	vmul.f32 $1.442695020e+00, v1;
	_ =	sdelay $0x1  }
.Ltmp0:
0x77: {  	(erf) = vpow2.f32 v1;
	(pc) =	sbr.rel @p0 .LBB2_2-.Ltmp0, $3  }
0x78: {  	_ =	sdelay $0x1  }
0x79: {  	s24 =	sshra.s32 s23, $0x2  }
0x7a: {  	s23 =	sadd.s32 $0x40, s23;
	v1 =	vld [tilespmem:s24+$0x5C00]  }
0x7b: {  	_ = 	snop  }
0x7c: {  	v2 =	vld [tilespmem:s24+$0x4F80];
	_ =	sdelay $0x2  }
0x7d: {  	s22 =	sadd.s32 $0x10, s22  }
0x7e: {  	p0 =	slt.u32 s22, $0x186A0;
	v3 =	vpop (erf)  }
0x7f: {  	v3 =	vpsel !p0, $0x0, v3  }
0x80: {  	[tilespmem:s21+$0x6C00] =	vst v3  }
0x81: {  	v1 =	vld.idx.msk [tilespmem:v1+s14+$0x0], $0xffff  }
0x82: {  	v2 =	vld.idx.msk [tilespmem:v2+s5+$0x0], $0xffff;
	_ =	sdelay $0x4  }
0x83: {  	v1 =	vadd.f32 v1, v2;
	_ =	sdelay $0x1  }
0x84: {  	v2 =	vmul.f32 $2.000000030e-01, v1  }
0x85: {  	vm0 =	vge.f32 v1, $0.0e+00  }
0x86: {  	v1 =	vsel vm0, v1, v2  }
0x87: {  	v1 =	vmul.f32 $1.442695020e+00, v1;
	_ =	sdelay $0x1  }
0x88: {  	(erf) = vpow2.f32 v1;
	_ =	sdelay $0x7  }
0x89: {  	s28 =	sadd.s32 $0x10, s22  }
0x8a: {  	p6 =	slt.u32 s28, $0x186A0;
	v1 =	vpop (erf)  }
0x8b: {  	v1 =	vpsel !p6, $0x0, v1  }
0x8c: {  	s29 =	simm.s32 $0x0;
	[tilespmem:s24+$0x6C00] =	vst v1  }
0x8d: {  	[hbm4b:s9+s29] =	stream.linear.scatter [tilespmem:s18], [sflag:$0x1], $0xC80, $0x38;
	[tilespmem:$0x8100] =	vst v63  }
0x8e: {  	_ =	swait.ge [sflag:s13], $0xC80  }
0x8f: {  	[sflag:s13] =	ssyncset.done $0x0  }
0x90: {  	s30 =	simm.s32 $0x6C00;
	s31 =	simm.s32 $0x5C00;
	[sflag:s13] =	ssyncadd.s32 $0xFFFFF380  }
0x91: {  	[spmem:s4] =	stream.indirect.scatter.add.f32 [tilespmem:s30], [sflag:$0x1], $0x1, s31, s19, $0xb8;
	[tilespmem:$0x8100] =	vst v63  }
0x92: {  	s21 =	simm.s32 $0x200;
	_ =	swait.ge [sflag:s13], $0x80  }
.LBB2_4:
0x93: {  	s22 =	sshra.s32 s21, $0x2  }
0x94: {  	[sflag:s13] =	ssyncset.done $0x0;
	p0 =	sne.s32 s21, $0x3000;
	s23 =	sadd.s32 $0x6C00, s22  }
.Ltmp1:
0x95: {  	s22 =	sadd.s32 $0x5C00, s22;
	[sflag:s13] =	ssyncadd.s32 $0xFFFFFF80;
	(pc) =	sbr.rel @p0 .LBB2_4-.Ltmp1, $3  }
0x96: {  	[spmem:s4] =	stream.indirect.scatter.add.f32 [tilespmem:s23], [sflag:$0x1], $0x1, s22, s19, $0xb8;
	[tilespmem:$0x8100] =	vst v63  }
0x97: {  	s21 =	sadd.s32 $0x200, s21;
	_ =	sdelay $0x1  }
0x98: {  	_ =	swait.ge [sflag:s13], $0x80  }
0x99: {  	[sflag:s13] =	ssyncset.done $0x0  }
0x9a: {  	[sflag:s13] =	ssyncadd.s32 $0xFFFFFF80  }
0x9b: {  	[bflag:$0x0] =	sbarrier.arrive $0xFFFF  }
0x9c: {  	[tilespmem:s17], [sflag:$0x1] =	stream.linear.gather [spmem:s8], $0x280, $0x38;
	[tilespmem:$0x8100] =	vst v63  }
0x9d: {  	s20 =	sadd.s32 $0x1, s20;
	_ =	swait.ge [sflag:s13], $0x280  }
0x9e: {  	p0 =	sne.s32 s20, s11;
	[sflag:s13] =	ssyncset.done $0x0  }
.Ltmp2:
0x9f: {  	[sflag:s13] =	ssyncadd.s32 $0xFFFFFD80;
	(pc) =	sbr.rel @p0 .LBB2_1-.Ltmp2, $4  }
0xa0: {  	[hbm4b:s10+s5] =	stream.linear.scatter [tilespmem:s17], [sflag:$0x1], $0x280, $0x38;
	[tilespmem:$0x8100] =	vst v63  }
0xa1: {  	_ =	swait.ge [sflag:s13], $0x280  }
0xa2: {  	[sflag:s13] =	ssyncset.done $0x0  }
0xa3: {  	[sflag:s13] =	ssyncadd.s32 $0xFFFFFD80  }
0xa4: {  	_ =	sfence.sel $0x180000  }
0xa5: {  	[bflag:$0x0] =	sbarrier.arrive $0xFFFF  }
0xa6: {  	p0 =	sne.s32 s3, $0x0;
	_ =	strace $0x90000047  }
0xa7: {  	s0 =	sadd.s32 @!p0 $0x100000, s0;
	[bflag:$0x2] =	sbarrier.arrive $0xFFFF  }
0xa8: {  	[sflag:s0] =	ssyncadd.tile.s32 @!p0 $0x1;
	_ =	shalt  }
.Lfunc_end2:
_tile_overlayer_lowered:
.L_overlay_start_2:
0xa9: {  	(tag) =	ssettag $0x2  }
0xaa: {  	s0 =	rddreg [dreg:$0x0];
	s2 =	stileid.u32  }
0xab: {  	s1 =	rddreg [dreg:$0x1];
	p0 =	sne.s32 s2, $0x0  }
0xac: {  	s3 =	rddreg [dreg:$0x2];
	[bflag:$0x3] =	sbarrier.arrive $0xFFFF;
	s2 =	simm.s32 @!p0 $0x1C01  }
0xad: {  	[timem:s3], [sflag:s2] =	dma.local @!p0 [hbm:s0], s1  }
0xae: {  	s0 =	simm.s32 @!p0 $0x1  }
0xaf: {  	_ =	swait.ge @!p0 [sflag:s0], s1  }
0xb0: {  	s1 =	ssub.s32 @!p0 $0x0, s1;
	[sflag:s0] =	ssyncset.done @!p0 $0x0  }
0xb1: {  	[sflag:s0] =	ssyncadd.s32 @!p0 s1  }
0xb2: {  	[bflag:$0x3] =	sbarrier.arrive $0xFFFF  }
0xb3: {  	_ =	shalt  }

</sc_bundles>
